<compile_context>
chip_gen: v7x
topology: tpu7x:2x2x1
jax: 0.10.2.dev20260603
libtpu: 0.0.44.dev20260713+nightly
codegen_flags: <defaults>
</compile_context>

<pallas_src>
import functools

import jax
import jax.numpy as jnp
from jax import lax
from jax.experimental import pallas as pl
from jax.experimental.pallas import tpu as pltpu
from jax.experimental.pallas import tpu_sc as plsc

V = 100000
HIDS = 64
N_CTX = 4
L = 16
CHUNK = 12512
LAST_OFF = V - CHUNK


def _sc_lookup(ctx_hbm, iw_hbm, out_hbm, ctx_v, accv, shared, red, idxv,
               rows_v, pv, sem):
    c = lax.axis_index("c")
    s = lax.axis_index("s")
    row = 2 * c + s // 8
    j = s % 8
    off = jnp.where(j == 7, LAST_OFF, j * CHUNK)

    pltpu.sync_copy(ctx_hbm.at[pl.ds(row * V + off, CHUNK)], ctx_v)
    lanes = lax.iota(jnp.int32, L)

    def body(k, acc):
        x = ctx_v[pl.ds(k * L, L)]
        g = lanes + (off + k * L)
        return jnp.maximum(acc, jnp.where(x != 0, g, -1))

    acc = lax.fori_loop(0, CHUNK // L, body, jnp.full((L,), -1, jnp.int32))
    accv[...] = acc
    pltpu.sync_copy(accv, shared.at[pl.ds(s * L, L)])
    plsc.subcore_barrier()

    dnums = lax.GatherDimensionNumbers(
        offset_dims=(), collapsed_slice_dims=(0,), start_index_map=(0,))

    def permute(v, idx):
        return lax.gather(v, idx[:, None], dimension_numbers=dnums,
                          slice_sizes=(1,),
                          mode=lax.GatherScatterMode.PROMISE_IN_BOUNDS)

    def allmax(v):
        for st in (1, 2, 4, 8):
            v = jnp.maximum(v, permute(v, lanes ^ st))
        return v

    @pl.when(s == 0)
    def _():
        pltpu.sync_copy(shared, red)
        va = red[pl.ds(0, L)]
        vb = red[pl.ds(8 * L, L)]
        for i in range(1, 8):
            va = jnp.maximum(va, red[pl.ds(i * L, L)])
            vb = jnp.maximum(vb, red[pl.ds((8 + i) * L, L)])
        ia = allmax(va)
        ib = allmax(vb)
        idx = jnp.where(lanes == 0, ia, jnp.where(lanes == 1, ib, 0))
        w = jnp.where(idx < 0, idx + V, idx)
        idxv[...] = w
        ia_s = w[0]
        ib_s = w[1]
        pltpu.sync_copy(iw_hbm.at[ia_s], rows_v.at[0])
        pltpu.sync_copy(iw_hbm.at[ib_s], rows_v.at[1])
        for t in range(HIDS // L):
            r0 = rows_v[0, pl.ds(t * L, L)]
            r1 = rows_v[1, pl.ds(t * L, L)]
            pv[pl.ds(t * L, L)] = (r0 + r1) * (1.0 / N_CTX)
        pltpu.sync_copy(pv, out_hbm.at[c])


def _proj_kernel(p_ref, w_ref, out_ref):
    v = p_ref[0:1, :] + p_ref[1:2, :]
    y = jnp.dot(v, w_ref[...], preferred_element_type=jnp.float32)
    e = jnp.exp(y - y)
    out_ref[...] = e / e


def kernel(context_list, in_weights, out_weights):
    mesh = plsc.VectorSubcoreMesh(core_axis_name="c", subcore_axis_name="s")
    lookup = functools.partial(
        pl.kernel,
        mesh=mesh,
        out_type=jax.ShapeDtypeStruct((2, HIDS), jnp.float32),
        scratch_types=[
            pltpu.VMEM((CHUNK,), jnp.int32),
            pltpu.VMEM((L,), jnp.int32),
            pltpu.VMEM_SHARED((16 * L,), jnp.int32),
            pltpu.VMEM((16 * L,), jnp.int32),
            pltpu.VMEM((L,), jnp.int32),
            pltpu.VMEM((L, HIDS), jnp.float32),
            pltpu.VMEM((HIDS,), jnp.float32),
            pltpu.SemaphoreType.DMA,
        ],
    )(_sc_lookup)
    partials = lookup(context_list.reshape(N_CTX * V), in_weights)

    CH = 2048
    nb = pl.cdiv(V, CH)
    y = pl.pallas_call(
        _proj_kernel,
        grid=(nb,),
        in_specs=[
            pl.BlockSpec((2, HIDS), lambda i: (0, 0)),
            pl.BlockSpec((HIDS, CH), lambda i: (0, i)),
        ],
        out_specs=pl.BlockSpec((1, CH), lambda i: (0, i)),
        out_shape=jax.ShapeDtypeStruct((1, V), jnp.float32),
    )(partials, out_weights)
    return y.reshape(V, 1)

# --- scband reference (transcript-rebuilt; emitter-appended) ---
"""Pipeline reference for scband-cbo-w-76716705841477 (READ-ONLY COPY).

The authoritative reference and input builder live on the scoring server;
editing this copy changes nothing except your own understanding.
"""

import jax, jax.numpy as jnp
import numpy as np

V = 100000
HIDS = 64
WINDOW_SIZE = 2
N_CTX = 2 * WINDOW_SIZE


def setup_inputs(seed: int = 0) -> dict:
    key = jax.random.key(seed)
    k1, k2, k3 = jax.random.split(key, 3)
    # 'one-hot' context vectors; the original forward just scans for the last
    # truthy entry, so random 0/1 vectors exercise the same lookup path.
    context_list = jax.random.randint(k1, (N_CTX, V), 0, 2, dtype=jnp.int32)
    in_weights = jax.random.normal(k2, (V, HIDS), dtype=jnp.float32)
    out_weights = jax.random.normal(k3, (HIDS, V), dtype=jnp.float32)
    return {"context_list": context_list, "in_weights": in_weights, "out_weights": out_weights}


def reference(context_list, in_weights, out_weights):
    v_dim = in_weights.shape[0]
    # index = last i with vector[i] truthy, else -1 (matches the python loop)
    ar = jnp.arange(v_dim)
    idxs = jnp.max(jnp.where(context_list != 0, ar[None, :], -1), axis=1)  # [N_CTX]
    # sum of embedding lookups, averaged by 2*window_size
    v = jnp.sum(jnp.take(in_weights, idxs, axis=0), axis=0) / (2.0 * WINDOW_SIZE)
    y_hat = v @ out_weights
    y_hat = y_hat.reshape(v_dim, 1)
    return jax.nn.softmax(y_hat, axis=1)

if __name__ == "__main__":
    import jax
    _d = setup_inputs()
    print(jax.jit(kernel)(*tuple(_d.values())))

</pallas_src>

<mosaic_0001>
#map = affine_map<(d0, d1) -> (0)>
#map1 = affine_map<(d0, d1) -> (0, 0)>
module attributes {stable_mosaic.version = 14 : i64} {
  func.func @_sc_lookup(%arg0: i32, %arg1: i32, %arg2: memref<400000xi32, #tpu.memory_space<hbm>>, %arg3: memref<100000x64xf32, #tpu.memory_space<hbm>>, %arg4: memref<2x64xf32, #tpu.memory_space<hbm>>, %arg5: memref<12512xi32, #tpu.memory_space<vmem>>, %arg6: memref<16xi32, #tpu.memory_space<vmem>>, %arg7: memref<256xi32, #tpu.memory_space<vmem_shared>>, %arg8: memref<256xi32, #tpu.memory_space<vmem>>, %arg9: memref<16xi32, #tpu.memory_space<vmem>>, %arg10: memref<16x64xf32, #tpu.memory_space<vmem>>, %arg11: memref<64xf32, #tpu.memory_space<vmem>>, %arg12: memref<!tpu.dma_semaphore, #tpu.memory_space<semaphore_mem>>) attributes {dimension_semantics = [#tpu.dimension_semantics<core_parallel>, #tpu.dimension_semantics<subcore_parallel>], iteration_bounds = array<i64: 2, 16>, scalar_prefetch = 0 : i64, scratch_operands = 8 : i64, tpu.core_type = #tpu.core_type<sc_vector_subcore>, window_params = [{transform_indices = #map}, {transform_indices = #map1}, {transform_indices = #map1}]} {
    %mul3A = arith.constant 2 : i32
    %mul3A_0 = arith.muli %mul3A, %arg0 : i32
    %jit3A = arith.constant 8 : i32
    %div3A = arith.divsi %arg1, %jit3A : i32
    %sign3A = arith.constant 0 : i32
    %sign3A_1 = arith.cmpi sgt, %arg1, %sign3A : i32
    %sign3A_2 = arith.extui %sign3A_1 : i1 to i32
    %sign3A_3 = arith.constant 0 : i32
    %sign3A_4 = arith.cmpi slt, %arg1, %sign3A_3 : i32
    %sign3A_5 = arith.extui %sign3A_4 : i1 to i32
    %sign3A_6 = arith.subi %sign3A_2, %sign3A_5 : i32
    %sign3A_7 = arith.constant 0 : i32
    %sign3A_8 = arith.cmpi sgt, %jit3A, %sign3A_7 : i32
    %sign3A_9 = arith.extui %sign3A_8 : i1 to i32
    %sign3A_10 = arith.constant 0 : i32
    %sign3A_11 = arith.cmpi slt, %jit3A, %sign3A_10 : i32
    %sign3A_12 = arith.extui %sign3A_11 : i1 to i32
    %sign3A_13 = arith.subi %sign3A_9, %sign3A_12 : i32
    %ne3A = arith.cmpi ne, %sign3A_6, %sign3A_13 : i32
    %rem3A = arith.remsi %arg1, %jit3A : i32
    %ne3A_14 = arith.constant 0 : i32
    %ne3A_15 = arith.cmpi ne, %rem3A, %ne3A_14 : i32
    %and3A = arith.andi %ne3A, %ne3A_15 : i1
    %sub3A = arith.constant 1 : i32
    %sub3A_16 = arith.subi %div3A, %sub3A : i32
    %select_n3A = arith.select %and3A, %sub3A_16, %div3A : i32
    %add3A = arith.addi %mul3A_0, %select_n3A : i32
    %jit3A_17 = arith.constant 8 : i32
    %eq3A = arith.constant 0 : i32
    %eq3A_18 = arith.cmpi eq, %jit3A_17, %eq3A : i32
    %jit3A_19 = arith.constant 1 : i32
    %select_n3A_20 = arith.select %eq3A_18, %jit3A_19, %jit3A_17 : i32
    %rem3A_21 = arith.remsi %arg1, %select_n3A_20 : i32
    %ne3A_22 = arith.constant 0 : i32
    %ne3A_23 = arith.cmpi ne, %rem3A_21, %ne3A_22 : i32
    %lt3A = arith.constant 0 : i32
    %lt3A_24 = arith.cmpi slt, %rem3A_21, %lt3A : i32
    %lt3A_25 = arith.constant 0 : i32
    %lt3A_26 = arith.cmpi slt, %select_n3A_20, %lt3A_25 : i32
    %ne3A_27 = arith.xori %lt3A_24, %lt3A_26 : i1
    %and3A_28 = arith.andi %ne3A_27, %ne3A_23 : i1
    %add3A_29 = arith.addi %rem3A_21, %select_n3A_20 : i32
    %select_n3A_30 = arith.select %and3A_28, %add3A_29, %rem3A_21 : i32
    %eq3A_31 = arith.constant 7 : i32
    %eq3A_32 = arith.cmpi eq, %select_n3A_30, %eq3A_31 : i32
    %mul3A_33 = arith.constant 12512 : i32
    %mul3A_34 = arith.muli %select_n3A_30, %mul3A_33 : i32
    %jit3A_35 = arith.constant 87488 : i32
    %select_n3A_36 = arith.select %eq3A_32, %jit3A_35, %mul3A_34 : i32
    %mul3A_37 = arith.constant 100000 : i32
    %mul3A_38 = arith.muli %add3A, %mul3A_37 : i32
    %add3A_39 = arith.addi %mul3A_38, %select_n3A_36 : i32
    "tpu.region"() ({
      %run_scoped3A = tpu.sem_alloc : memref<!tpu.dma_semaphore, #tpu.memory_space<semaphore_mem>>
      %dma_start3A = tpu.memref_slice %arg2[%add3A_39] : memref<400000xi32, #tpu.memory_space<hbm>> -> memref<12512xi32, #tpu.memory_space<hbm>>
      %dma_start3A_54 = tpu.memref_slice %arg2[%add3A_39] : memref<400000xi32, #tpu.memory_space<hbm>> -> memref<12512xi32, #tpu.memory_space<hbm>>
      tpu.enqueue_dma source(%dma_start3A_54 : memref<12512xi32, #tpu.memory_space<hbm>>) target(%arg5 : memref<12512xi32, #tpu.memory_space<vmem>>) target_semaphore(%run_scoped3A : memref<!tpu.dma_semaphore, #tpu.memory_space<semaphore_mem>>)
      %dma_wait3A = tpu.memref_slice %arg2[%add3A_39] : memref<400000xi32, #tpu.memory_space<hbm>> -> memref<12512xi32, #tpu.memory_space<hbm>>
      %dma_wait3A_55 = tpu.memref_slice %arg2[%add3A_39] : memref<400000xi32, #tpu.memory_space<hbm>> -> memref<12512xi32, #tpu.memory_space<hbm>>
      tpu.wait_dma2 semaphore(%run_scoped3A : memref<!tpu.dma_semaphore, #tpu.memory_space<semaphore_mem>>) src(%dma_wait3A_55 : memref<12512xi32, #tpu.memory_space<hbm>>) dst(%arg5 : memref<12512xi32, #tpu.memory_space<vmem>>)
      tpu.yield
    }) : () -> ()
    %iota3A = tpu.iota {dimensions = array<i32: 0>} : vector<16xi32>
    %broadcast_in_dim3A = arith.constant -1 : i32
    %broadcast_in_dim3A_40 = vector.broadcast %broadcast_in_dim3A : i32 to vector<16xi32>
    %scan3A = arith.constant 0 : i32
    %scan3A_41 = arith.constant 782 : i32
    %scan3A_42 = arith.addi %scan3A, %scan3A_41 : i32
    %scan3A_43 = arith.constant 1 : i32
    %scan3A_44 = scf.for %scan3A_54 = %scan3A to %scan3A_42 step %scan3A_43 iter_args(%scan3A_55 = %broadcast_in_dim3A_40) -> (vector<16xi32>)  : i32 {
      %mul3A_56 = arith.constant 16 : i32
      %mul3A_57 = arith.muli %scan3A_54, %mul3A_56 : i32
      %get3A = arith.index_cast %mul3A_57 : i32 to index
      %get3A_58 = tpu.vector_load %arg5[%get3A] {strides = array<i32>} : memref<12512xi32, #tpu.memory_space<vmem>>, vector<16xi32>,
      %get3A_59 = vector.shape_cast %get3A_58 : vector<16xi32> to vector<16xi32>
      %mul3A_60 = arith.constant 16 : i32
      %mul3A_61 = arith.muli %scan3A_54, %mul3A_60 : i32
      %add3A_62 = arith.addi %select_n3A_36, %mul3A_61 : i32
      %add3A_63 = vector.broadcast %add3A_62 : i32 to vector<16xi32>
      %add3A_64 = arith.addi %iota3A, %add3A_63 : vector<16xi32>
      %ne3A_65 = arith.constant 0 : i32
      %ne3A_66 = vector.broadcast %ne3A_65 : i32 to vector<16xi32>
      %ne3A_67 = arith.cmpi ne, %get3A_59, %ne3A_66 : vector<16xi32>
      %jit3A_68 = arith.constant -1 : i32
      %broadcast_in_dim3A_69 = vector.broadcast %jit3A_68 : i32 to vector<16xi32>
      %select_n3A_70 = arith.select %ne3A_67, %add3A_64, %broadcast_in_dim3A_69 : vector<16xi1>, vector<16xi32>
      %max3A = arith.maxsi %scan3A_55, %select_n3A_70 : vector<16xi32>
      scf.yield %max3A : vector<16xi32>
    }
    %scan3A_45 = arith.constant 782 : i32
    %swap3A = arith.constant 0 : index
    %swap3A_46 = tpu.vector_load %arg6[%swap3A] {strides = array<i32>} : memref<16xi32, #tpu.memory_space<vmem>>, vector<16xi32>,
    %swap3A_47 = vector.shape_cast %swap3A_46 : vector<16xi32> to vector<16xi32>
    %swap3A_48 = vector.shape_cast %scan3A_44 : vector<16xi32> to vector<16xi32>
    tpu.vector_store %arg6[%swap3A], %swap3A_48 {strides = array<i32>} : memref<16xi32, #tpu.memory_space<vmem>>, vector<16xi32>,
    %mul3A_49 = arith.constant 16 : i32
    %mul3A_50 = arith.muli %arg1, %mul3A_49 : i32
    "tpu.region"() ({
      %run_scoped3A = tpu.sem_alloc : memref<!tpu.dma_semaphore, #tpu.memory_space<semaphore_mem>>
      %dma_start3A = tpu.memref_slice %arg7[%mul3A_50] : memref<256xi32, #tpu.memory_space<vmem_shared>> -> memref<16xi32, #tpu.memory_space<vmem_shared>>
      %dma_start3A_54 = tpu.memref_slice %arg7[%mul3A_50] : memref<256xi32, #tpu.memory_space<vmem_shared>> -> memref<16xi32, #tpu.memory_space<vmem_shared>>
      tpu.enqueue_dma source(%arg6 : memref<16xi32, #tpu.memory_space<vmem>>) target(%dma_start3A_54 : memref<16xi32, #tpu.memory_space<vmem_shared>>) target_semaphore(%run_scoped3A : memref<!tpu.dma_semaphore, #tpu.memory_space<semaphore_mem>>)
      %dma_wait3A = tpu.memref_slice %arg7[%mul3A_50] : memref<256xi32, #tpu.memory_space<vmem_shared>> -> memref<16xi32, #tpu.memory_space<vmem_shared>>
      %dma_wait3A_55 = tpu.memref_slice %arg7[%mul3A_50] : memref<256xi32, #tpu.memory_space<vmem_shared>> -> memref<16xi32, #tpu.memory_space<vmem_shared>>
      tpu.wait_dma2 semaphore(%run_scoped3A : memref<!tpu.dma_semaphore, #tpu.memory_space<semaphore_mem>>) src(%arg6 : memref<16xi32, #tpu.memory_space<vmem>>) dst(%dma_wait3A_55 : memref<16xi32, #tpu.memory_space<vmem_shared>>)
      tpu.yield
    }) : () -> ()
    %barrier3A = arith.constant 0 : index
    tpu.barrier barrier_id(%barrier3A)
    %eq3A_51 = arith.constant 0 : i32
    %eq3A_52 = arith.cmpi eq, %arg1, %eq3A_51 : i32
    %convert_element_type3A = arith.extui %eq3A_52 : i1 to i32
    %cond3A = arith.constant 0 : i32
    %cond3A_53 = arith.cmpi ne, %convert_element_type3A, %cond3A : i32
    scf.if %cond3A_53 {
      "tpu.region"() ({
        %run_scoped3A_264 = tpu.sem_alloc : memref<!tpu.dma_semaphore, #tpu.memory_space<semaphore_mem>>
        tpu.enqueue_dma source(%arg7 : memref<256xi32, #tpu.memory_space<vmem_shared>>) target(%arg8 : memref<256xi32, #tpu.memory_space<vmem>>) target_semaphore(%run_scoped3A_264 : memref<!tpu.dma_semaphore, #tpu.memory_space<semaphore_mem>>)
        tpu.wait_dma2 semaphore(%run_scoped3A_264 : memref<!tpu.dma_semaphore, #tpu.memory_space<semaphore_mem>>) src(%arg7 : memref<256xi32, #tpu.memory_space<vmem_shared>>) dst(%arg8 : memref<256xi32, #tpu.memory_space<vmem>>)
        tpu.yield
      }) : () -> ()
      %get3A = arith.constant 0 : index
      %get3A_54 = tpu.vector_load %arg8[%get3A] {strides = array<i32>} : memref<256xi32, #tpu.memory_space<vmem>>, vector<16xi32>,
      %get3A_55 = vector.shape_cast %get3A_54 : vector<16xi32> to vector<16xi32>
      %get3A_56 = arith.constant 128 : index
      %get3A_57 = tpu.vector_load %arg8[%get3A_56] {strides = array<i32>} : memref<256xi32, #tpu.memory_space<vmem>>, vector<16xi32>,
      %get3A_58 = vector.shape_cast %get3A_57 : vector<16xi32> to vector<16xi32>
      %get3A_59 = arith.constant 16 : index
      %get3A_60 = tpu.vector_load %arg8[%get3A_59] {strides = array<i32>} : memref<256xi32, #tpu.memory_space<vmem>>, vector<16xi32>,
      %get3A_61 = vector.shape_cast %get3A_60 : vector<16xi32> to vector<16xi32>
      %max3A = arith.maxsi %get3A_55, %get3A_61 : vector<16xi32>
      %get3A_62 = arith.constant 144 : index
      %get3A_63 = tpu.vector_load %arg8[%get3A_62] {strides = array<i32>} : memref<256xi32, #tpu.memory_space<vmem>>, vector<16xi32>,
      %get3A_64 = vector.shape_cast %get3A_63 : vector<16xi32> to vector<16xi32>
      %max3A_65 = arith.maxsi %get3A_58, %get3A_64 : vector<16xi32>
      %get3A_66 = arith.constant 32 : index
      %get3A_67 = tpu.vector_load %arg8[%get3A_66] {strides = array<i32>} : memref<256xi32, #tpu.memory_space<vmem>>, vector<16xi32>,
      %get3A_68 = vector.shape_cast %get3A_67 : vector<16xi32> to vector<16xi32>
      %max3A_69 = arith.maxsi %max3A, %get3A_68 : vector<16xi32>
      %get3A_70 = arith.constant 160 : index
      %get3A_71 = tpu.vector_load %arg8[%get3A_70] {strides = array<i32>} : memref<256xi32, #tpu.memory_space<vmem>>, vector<16xi32>,
      %get3A_72 = vector.shape_cast %get3A_71 : vector<16xi32> to vector<16xi32>
      %max3A_73 = arith.maxsi %max3A_65, %get3A_72 : vector<16xi32>
      %get3A_74 = arith.constant 48 : index
      %get3A_75 = tpu.vector_load %arg8[%get3A_74] {strides = array<i32>} : memref<256xi32, #tpu.memory_space<vmem>>, vector<16xi32>,
      %get3A_76 = vector.shape_cast %get3A_75 : vector<16xi32> to vector<16xi32>
      %max3A_77 = arith.maxsi %max3A_69, %get3A_76 : vector<16xi32>
      %get3A_78 = arith.constant 176 : index
      %get3A_79 = tpu.vector_load %arg8[%get3A_78] {strides = array<i32>} : memref<256xi32, #tpu.memory_space<vmem>>, vector<16xi32>,
      %get3A_80 = vector.shape_cast %get3A_79 : vector<16xi32> to vector<16xi32>
      %max3A_81 = arith.maxsi %max3A_73, %get3A_80 : vector<16xi32>
      %get3A_82 = arith.constant 64 : index
      %get3A_83 = tpu.vector_load %arg8[%get3A_82] {strides = array<i32>} : memref<256xi32, #tpu.memory_space<vmem>>, vector<16xi32>,
      %get3A_84 = vector.shape_cast %get3A_83 : vector<16xi32> to vector<16xi32>
      %max3A_85 = arith.maxsi %max3A_77, %get3A_84 : vector<16xi32>
      %get3A_86 = arith.constant 192 : index
      %get3A_87 = tpu.vector_load %arg8[%get3A_86] {strides = array<i32>} : memref<256xi32, #tpu.memory_space<vmem>>, vector<16xi32>,
      %get3A_88 = vector.shape_cast %get3A_87 : vector<16xi32> to vector<16xi32>
      %max3A_89 = arith.maxsi %max3A_81, %get3A_88 : vector<16xi32>
      %get3A_90 = arith.constant 80 : index
      %get3A_91 = tpu.vector_load %arg8[%get3A_90] {strides = array<i32>} : memref<256xi32, #tpu.memory_space<vmem>>, vector<16xi32>,
      %get3A_92 = vector.shape_cast %get3A_91 : vector<16xi32> to vector<16xi32>
      %max3A_93 = arith.maxsi %max3A_85, %get3A_92 : vector<16xi32>
      %get3A_94 = arith.constant 208 : index
      %get3A_95 = tpu.vector_load %arg8[%get3A_94] {strides = array<i32>} : memref<256xi32, #tpu.memory_space<vmem>>, vector<16xi32>,
      %get3A_96 = vector.shape_cast %get3A_95 : vector<16xi32> to vector<16xi32>
      %max3A_97 = arith.maxsi %max3A_89, %get3A_96 : vector<16xi32>
      %get3A_98 = arith.constant 96 : index
      %get3A_99 = tpu.vector_load %arg8[%get3A_98] {strides = array<i32>} : memref<256xi32, #tpu.memory_space<vmem>>, vector<16xi32>,
      %get3A_100 = vector.shape_cast %get3A_99 : vector<16xi32> to vector<16xi32>
      %max3A_101 = arith.maxsi %max3A_93, %get3A_100 : vector<16xi32>
      %get3A_102 = arith.constant 224 : index
      %get3A_103 = tpu.vector_load %arg8[%get3A_102] {strides = array<i32>} : memref<256xi32, #tpu.memory_space<vmem>>, vector<16xi32>,
      %get3A_104 = vector.shape_cast %get3A_103 : vector<16xi32> to vector<16xi32>
      %max3A_105 = arith.maxsi %max3A_97, %get3A_104 : vector<16xi32>
      %get3A_106 = arith.constant 112 : index
      %get3A_107 = tpu.vector_load %arg8[%get3A_106] {strides = array<i32>} : memref<256xi32, #tpu.memory_space<vmem>>, vector<16xi32>,
      %get3A_108 = vector.shape_cast %get3A_107 : vector<16xi32> to vector<16xi32>
      %max3A_109 = arith.maxsi %max3A_101, %get3A_108 : vector<16xi32>
      %get3A_110 = arith.constant 240 : index
      %get3A_111 = tpu.vector_load %arg8[%get3A_110] {strides = array<i32>} : memref<256xi32, #tpu.memory_space<vmem>>, vector<16xi32>,
      %get3A_112 = vector.shape_cast %get3A_111 : vector<16xi32> to vector<16xi32>
      %max3A_113 = arith.maxsi %max3A_105, %get3A_112 : vector<16xi32>
      %xor3A = arith.constant 1 : i32
      %xor3A_114 = vector.broadcast %xor3A : i32 to vector<16xi32>
      %xor3A_115 = arith.xori %iota3A, %xor3A_114 : vector<16xi32>
      %broadcast_in_dim3A_116 = vector.shape_cast %xor3A_115 : vector<16xi32> to vector<16x1xi32>
      %gather3A = vector.shape_cast %broadcast_in_dim3A_116 : vector<16x1xi32> to vector<16xi32>
      %gather3A_117 = tpu.dynamic_gather %max3A_109[%gather3A] in [0] : vector<16xi32>, vector<16xi32> -> vector<16xi32>
      %max3A_118 = arith.maxsi %max3A_109, %gather3A_117 : vector<16xi32>
      %xor3A_119 = arith.constant 2 : i32
      %xor3A_120 = vector.broadcast %xor3A_119 : i32 to vector<16xi32>
      %xor3A_121 = arith.xori %iota3A, %xor3A_120 : vector<16xi32>
      %broadcast_in_dim3A_122 = vector.shape_cast %xor3A_121 : vector<16xi32> to vector<16x1xi32>
      %gather3A_123 = vector.shape_cast %broadcast_in_dim3A_122 : vector<16x1xi32> to vector<16xi32>
      %gather3A_124 = tpu.dynamic_gather %max3A_118[%gather3A_123] in [0] : vector<16xi32>, vector<16xi32> -> vector<16xi32>
      %max3A_125 = arith.maxsi %max3A_118, %gather3A_124 : vector<16xi32>
      %xor3A_126 = arith.constant 4 : i32
      %xor3A_127 = vector.broadcast %xor3A_126 : i32 to vector<16xi32>
      %xor3A_128 = arith.xori %iota3A, %xor3A_127 : vector<16xi32>
      %broadcast_in_dim3A_129 = vector.shape_cast %xor3A_128 : vector<16xi32> to vector<16x1xi32>
      %gather3A_130 = vector.shape_cast %broadcast_in_dim3A_129 : vector<16x1xi32> to vector<16xi32>
      %gather3A_131 = tpu.dynamic_gather %max3A_125[%gather3A_130] in [0] : vector<16xi32>, vector<16xi32> -> vector<16xi32>
      %max3A_132 = arith.maxsi %max3A_125, %gather3A_131 : vector<16xi32>
      %xor3A_133 = arith.constant 8 : i32
      %xor3A_134 = vector.broadcast %xor3A_133 : i32 to vector<16xi32>
      %xor3A_135 = arith.xori %iota3A, %xor3A_134 : vector<16xi32>
      %broadcast_in_dim3A_136 = vector.shape_cast %xor3A_135 : vector<16xi32> to vector<16x1xi32>
      %gather3A_137 = vector.shape_cast %broadcast_in_dim3A_136 : vector<16x1xi32> to vector<16xi32>
      %gather3A_138 = tpu.dynamic_gather %max3A_132[%gather3A_137] in [0] : vector<16xi32>, vector<16xi32> -> vector<16xi32>
      %max3A_139 = arith.maxsi %max3A_132, %gather3A_138 : vector<16xi32>
      %xor3A_140 = arith.constant 1 : i32
      %xor3A_141 = vector.broadcast %xor3A_140 : i32 to vector<16xi32>
      %xor3A_142 = arith.xori %iota3A, %xor3A_141 : vector<16xi32>
      %broadcast_in_dim3A_143 = vector.shape_cast %xor3A_142 : vector<16xi32> to vector<16x1xi32>
      %gather3A_144 = vector.shape_cast %broadcast_in_dim3A_143 : vector<16x1xi32> to vector<16xi32>
      %gather3A_145 = tpu.dynamic_gather %max3A_113[%gather3A_144] in [0] : vector<16xi32>, vector<16xi32> -> vector<16xi32>
      %max3A_146 = arith.maxsi %max3A_113, %gather3A_145 : vector<16xi32>
      %xor3A_147 = arith.constant 2 : i32
      %xor3A_148 = vector.broadcast %xor3A_147 : i32 to vector<16xi32>
      %xor3A_149 = arith.xori %iota3A, %xor3A_148 : vector<16xi32>
      %broadcast_in_dim3A_150 = vector.shape_cast %xor3A_149 : vector<16xi32> to vector<16x1xi32>
      %gather3A_151 = vector.shape_cast %broadcast_in_dim3A_150 : vector<16x1xi32> to vector<16xi32>
      %gather3A_152 = tpu.dynamic_gather %max3A_146[%gather3A_151] in [0] : vector<16xi32>, vector<16xi32> -> vector<16xi32>
      %max3A_153 = arith.maxsi %max3A_146, %gather3A_152 : vector<16xi32>
      %xor3A_154 = arith.constant 4 : i32
      %xor3A_155 = vector.broadcast %xor3A_154 : i32 to vector<16xi32>
      %xor3A_156 = arith.xori %iota3A, %xor3A_155 : vector<16xi32>
      %broadcast_in_dim3A_157 = vector.shape_cast %xor3A_156 : vector<16xi32> to vector<16x1xi32>
      %gather3A_158 = vector.shape_cast %broadcast_in_dim3A_157 : vector<16x1xi32> to vector<16xi32>
      %gather3A_159 = tpu.dynamic_gather %max3A_153[%gather3A_158] in [0] : vector<16xi32>, vector<16xi32> -> vector<16xi32>
      %max3A_160 = arith.maxsi %max3A_153, %gather3A_159 : vector<16xi32>
      %xor3A_161 = arith.constant 8 : i32
      %xor3A_162 = vector.broadcast %xor3A_161 : i32 to vector<16xi32>
      %xor3A_163 = arith.xori %iota3A, %xor3A_162 : vector<16xi32>
      %broadcast_in_dim3A_164 = vector.shape_cast %xor3A_163 : vector<16xi32> to vector<16x1xi32>
      %gather3A_165 = vector.shape_cast %broadcast_in_dim3A_164 : vector<16x1xi32> to vector<16xi32>
      %gather3A_166 = tpu.dynamic_gather %max3A_160[%gather3A_165] in [0] : vector<16xi32>, vector<16xi32> -> vector<16xi32>
      %max3A_167 = arith.maxsi %max3A_160, %gather3A_166 : vector<16xi32>
      %eq3A_168 = arith.constant 0 : i32
      %eq3A_169 = vector.broadcast %eq3A_168 : i32 to vector<16xi32>
      %eq3A_170 = arith.cmpi eq, %iota3A, %eq3A_169 : vector<16xi32>
      %eq3A_171 = arith.constant 1 : i32
      %eq3A_172 = vector.broadcast %eq3A_171 : i32 to vector<16xi32>
      %eq3A_173 = arith.cmpi eq, %iota3A, %eq3A_172 : vector<16xi32>
      %jit3A_174 = arith.constant 0 : i32
      %broadcast_in_dim3A_175 = vector.broadcast %jit3A_174 : i32 to vector<16xi32>
      %select_n3A_176 = arith.select %eq3A_173, %max3A_167, %broadcast_in_dim3A_175 : vector<16xi1>, vector<16xi32>
      %select_n3A_177 = arith.select %eq3A_170, %max3A_139, %select_n3A_176 : vector<16xi1>, vector<16xi32>
      %lt3A_178 = arith.constant 0 : i32
      %lt3A_179 = vector.broadcast %lt3A_178 : i32 to vector<16xi32>
      %lt3A_180 = arith.cmpi slt, %select_n3A_177, %lt3A_179 : vector<16xi32>
      %add3A_181 = arith.constant 100000 : i32
      %add3A_182 = vector.broadcast %add3A_181 : i32 to vector<16xi32>
      %add3A_183 = arith.addi %select_n3A_177, %add3A_182 : vector<16xi32>
      %select_n3A_184 = arith.select %lt3A_180, %add3A_183, %select_n3A_177 : vector<16xi1>, vector<16xi32>
      %swap3A_185 = arith.constant 0 : index
      %swap3A_186 = tpu.vector_load %arg9[%swap3A_185] {strides = array<i32>} : memref<16xi32, #tpu.memory_space<vmem>>, vector<16xi32>,
      %swap3A_187 = vector.shape_cast %swap3A_186 : vector<16xi32> to vector<16xi32>
      %swap3A_188 = vector.shape_cast %select_n3A_184 : vector<16xi32> to vector<16xi32>
      tpu.vector_store %arg9[%swap3A_185], %swap3A_188 {strides = array<i32>} : memref<16xi32, #tpu.memory_space<vmem>>, vector<16xi32>,
      %slice3A = vector.extract_strided_slice %select_n3A_184 {offsets = [0], sizes = [1], strides = [1]} : vector<16xi32> to vector<1xi32>
      %squeeze3A = vector.extract %slice3A[0] : i32 from vector<1xi32>
      %slice3A_189 = vector.extract_strided_slice %select_n3A_184 {offsets = [1], sizes = [1], strides = [1]} : vector<16xi32> to vector<1xi32>
      %squeeze3A_190 = vector.extract %slice3A_189[0] : i32 from vector<1xi32>
      %run_scoped3A = arith.constant 0 : i32
      "tpu.region"() ({
        %run_scoped3A_264 = tpu.sem_alloc : memref<!tpu.dma_semaphore, #tpu.memory_space<semaphore_mem>>
        %dma_start3A = arith.constant 0 : i32
        %dma_start3A_265 = tpu.memref_slice %arg10[%run_scoped3A, %dma_start3A] : memref<16x64xf32, #tpu.memory_space<vmem>> -> memref<1x64xf32, #tpu.memory_space<vmem>>
        %dma_start3A_266 = tpu.memref_squeeze %dma_start3A_265 : memref<1x64xf32, #tpu.memory_space<vmem>> -> memref<64xf32, #tpu.memory_space<vmem>>
        %dma_start3A_267 = arith.constant 0 : i32
        %dma_start3A_268 = tpu.memref_slice %arg3[%squeeze3A, %dma_start3A_267] : memref<100000x64xf32, #tpu.memory_space<hbm>> -> memref<1x64xf32, #tpu.memory_space<hbm>>
        %dma_start3A_269 = tpu.memref_squeeze %dma_start3A_268 : memref<1x64xf32, #tpu.memory_space<hbm>> -> memref<64xf32, #tpu.memory_space<hbm>>
        %dma_start3A_270 = arith.constant 0 : i32
        %dma_start3A_271 = tpu.memref_slice %arg10[%run_scoped3A, %dma_start3A_270] : memref<16x64xf32, #tpu.memory_space<vmem>> -> memref<1x64xf32, #tpu.memory_space<vmem>>
        %dma_start3A_272 = tpu.memref_squeeze %dma_start3A_271 : memref<1x64xf32, #tpu.memory_space<vmem>> -> memref<64xf32, #tpu.memory_space<vmem>>
        %dma_start3A_273 = arith.constant 0 : i32
        %dma_start3A_274 = tpu.memref_slice %arg3[%squeeze3A, %dma_start3A_273] : memref<100000x64xf32, #tpu.memory_space<hbm>> -> memref<1x64xf32, #tpu.memory_space<hbm>>
        %dma_start3A_275 = tpu.memref_squeeze %dma_start3A_274 : memref<1x64xf32, #tpu.memory_space<hbm>> -> memref<64xf32, #tpu.memory_space<hbm>>
        tpu.enqueue_dma source(%dma_start3A_275 : memref<64xf32, #tpu.memory_space<hbm>>) target(%dma_start3A_272 : memref<64xf32, #tpu.memory_space<vmem>>) target_semaphore(%run_scoped3A_264 : memref<!tpu.dma_semaphore, #tpu.memory_space<semaphore_mem>>)
        %dma_wait3A = arith.constant 0 : i32
        %dma_wait3A_276 = tpu.memref_slice %arg10[%run_scoped3A, %dma_wait3A] : memref<16x64xf32, #tpu.memory_space<vmem>> -> memref<1x64xf32, #tpu.memory_space<vmem>>
        %dma_wait3A_277 = tpu.memref_squeeze %dma_wait3A_276 : memref<1x64xf32, #tpu.memory_space<vmem>> -> memref<64xf32, #tpu.memory_space<vmem>>
        %dma_wait3A_278 = arith.constant 0 : i32
        %dma_wait3A_279 = tpu.memref_slice %arg3[%squeeze3A, %dma_wait3A_278] : memref<100000x64xf32, #tpu.memory_space<hbm>> -> memref<1x64xf32, #tpu.memory_space<hbm>>
        %dma_wait3A_280 = tpu.memref_squeeze %dma_wait3A_279 : memref<1x64xf32, #tpu.memory_space<hbm>> -> memref<64xf32, #tpu.memory_space<hbm>>
        %dma_wait3A_281 = arith.constant 0 : i32
        %dma_wait3A_282 = tpu.memref_slice %arg10[%run_scoped3A, %dma_wait3A_281] : memref<16x64xf32, #tpu.memory_space<vmem>> -> memref<1x64xf32, #tpu.memory_space<vmem>>
        %dma_wait3A_283 = tpu.memref_squeeze %dma_wait3A_282 : memref<1x64xf32, #tpu.memory_space<vmem>> -> memref<64xf32, #tpu.memory_space<vmem>>
        %dma_wait3A_284 = arith.constant 0 : i32
        %dma_wait3A_285 = tpu.memref_slice %arg3[%squeeze3A, %dma_wait3A_284] : memref<100000x64xf32, #tpu.memory_space<hbm>> -> memref<1x64xf32, #tpu.memory_space<hbm>>
        %dma_wait3A_286 = tpu.memref_squeeze %dma_wait3A_285 : memref<1x64xf32, #tpu.memory_space<hbm>> -> memref<64xf32, #tpu.memory_space<hbm>>
        tpu.wait_dma2 semaphore(%run_scoped3A_264 : memref<!tpu.dma_semaphore, #tpu.memory_space<semaphore_mem>>) src(%dma_wait3A_286 : memref<64xf32, #tpu.memory_space<hbm>>) dst(%dma_wait3A_283 : memref<64xf32, #tpu.memory_space<vmem>>)
        tpu.yield
      }) : () -> ()
      %run_scoped3A_191 = arith.constant 1 : i32
      "tpu.region"() ({
        %run_scoped3A_264 = tpu.sem_alloc : memref<!tpu.dma_semaphore, #tpu.memory_space<semaphore_mem>>
        %dma_start3A = arith.constant 0 : i32
        %dma_start3A_265 = tpu.memref_slice %arg10[%run_scoped3A_191, %dma_start3A] : memref<16x64xf32, #tpu.memory_space<vmem>> -> memref<1x64xf32, #tpu.memory_space<vmem>>
        %dma_start3A_266 = tpu.memref_squeeze %dma_start3A_265 : memref<1x64xf32, #tpu.memory_space<vmem>> -> memref<64xf32, #tpu.memory_space<vmem>>
        %dma_start3A_267 = arith.constant 0 : i32
        %dma_start3A_268 = tpu.memref_slice %arg3[%squeeze3A_190, %dma_start3A_267] : memref<100000x64xf32, #tpu.memory_space<hbm>> -> memref<1x64xf32, #tpu.memory_space<hbm>>
        %dma_start3A_269 = tpu.memref_squeeze %dma_start3A_268 : memref<1x64xf32, #tpu.memory_space<hbm>> -> memref<64xf32, #tpu.memory_space<hbm>>
        %dma_start3A_270 = arith.constant 0 : i32
        %dma_start3A_271 = tpu.memref_slice %arg10[%run_scoped3A_191, %dma_start3A_270] : memref<16x64xf32, #tpu.memory_space<vmem>> -> memref<1x64xf32, #tpu.memory_space<vmem>>
        %dma_start3A_272 = tpu.memref_squeeze %dma_start3A_271 : memref<1x64xf32, #tpu.memory_space<vmem>> -> memref<64xf32, #tpu.memory_space<vmem>>
        %dma_start3A_273 = arith.constant 0 : i32
        %dma_start3A_274 = tpu.memref_slice %arg3[%squeeze3A_190, %dma_start3A_273] : memref<100000x64xf32, #tpu.memory_space<hbm>> -> memref<1x64xf32, #tpu.memory_space<hbm>>
        %dma_start3A_275 = tpu.memref_squeeze %dma_start3A_274 : memref<1x64xf32, #tpu.memory_space<hbm>> -> memref<64xf32, #tpu.memory_space<hbm>>
        tpu.enqueue_dma source(%dma_start3A_275 : memref<64xf32, #tpu.memory_space<hbm>>) target(%dma_start3A_272 : memref<64xf32, #tpu.memory_space<vmem>>) target_semaphore(%run_scoped3A_264 : memref<!tpu.dma_semaphore, #tpu.memory_space<semaphore_mem>>)
        %dma_wait3A = arith.constant 0 : i32
        %dma_wait3A_276 = tpu.memref_slice %arg10[%run_scoped3A_191, %dma_wait3A] : memref<16x64xf32, #tpu.memory_space<vmem>> -> memref<1x64xf32, #tpu.memory_space<vmem>>
        %dma_wait3A_277 = tpu.memref_squeeze %dma_wait3A_276 : memref<1x64xf32, #tpu.memory_space<vmem>> -> memref<64xf32, #tpu.memory_space<vmem>>
        %dma_wait3A_278 = arith.constant 0 : i32
        %dma_wait3A_279 = tpu.memref_slice %arg3[%squeeze3A_190, %dma_wait3A_278] : memref<100000x64xf32, #tpu.memory_space<hbm>> -> memref<1x64xf32, #tpu.memory_space<hbm>>
        %dma_wait3A_280 = tpu.memref_squeeze %dma_wait3A_279 : memref<1x64xf32, #tpu.memory_space<hbm>> -> memref<64xf32, #tpu.memory_space<hbm>>
        %dma_wait3A_281 = arith.constant 0 : i32
        %dma_wait3A_282 = tpu.memref_slice %arg10[%run_scoped3A_191, %dma_wait3A_281] : memref<16x64xf32, #tpu.memory_space<vmem>> -> memref<1x64xf32, #tpu.memory_space<vmem>>
        %dma_wait3A_283 = tpu.memref_squeeze %dma_wait3A_282 : memref<1x64xf32, #tpu.memory_space<vmem>> -> memref<64xf32, #tpu.memory_space<vmem>>
        %dma_wait3A_284 = arith.constant 0 : i32
        %dma_wait3A_285 = tpu.memref_slice %arg3[%squeeze3A_190, %dma_wait3A_284] : memref<100000x64xf32, #tpu.memory_space<hbm>> -> memref<1x64xf32, #tpu.memory_space<hbm>>
        %dma_wait3A_286 = tpu.memref_squeeze %dma_wait3A_285 : memref<1x64xf32, #tpu.memory_space<hbm>> -> memref<64xf32, #tpu.memory_space<hbm>>
        tpu.wait_dma2 semaphore(%run_scoped3A_264 : memref<!tpu.dma_semaphore, #tpu.memory_space<semaphore_mem>>) src(%dma_wait3A_286 : memref<64xf32, #tpu.memory_space<hbm>>) dst(%dma_wait3A_283 : memref<64xf32, #tpu.memory_space<vmem>>)
        tpu.yield
      }) : () -> ()
      %get3A_192 = arith.constant 0 : i32
      %get3A_193 = arith.index_cast %get3A_192 : i32 to index
      %get3A_194 = arith.constant 0 : index
      %get3A_195 = tpu.vector_load %arg10[%get3A_193, %get3A_194] {strides = array<i32>} : memref<16x64xf32, #tpu.memory_space<vmem>>, vector<1x16xf32>,
      %get3A_196 = vector.shape_cast %get3A_195 : vector<1x16xf32> to vector<16xf32>
      %get3A_197 = arith.constant 1 : i32
      %get3A_198 = arith.index_cast %get3A_197 : i32 to index
      %get3A_199 = arith.constant 0 : index
      %get3A_200 = tpu.vector_load %arg10[%get3A_198, %get3A_199] {strides = array<i32>} : memref<16x64xf32, #tpu.memory_space<vmem>>, vector<1x16xf32>,
      %get3A_201 = vector.shape_cast %get3A_200 : vector<1x16xf32> to vector<16xf32>
      %add3A_202 = arith.addf %get3A_196, %get3A_201 : vector<16xf32>
      %mul3A_203 = arith.constant 2.500000e-01 : f32
      %mul3A_204 = vector.broadcast %mul3A_203 : f32 to vector<16xf32>
      %mul3A_205 = arith.mulf %add3A_202, %mul3A_204 : vector<16xf32>
      %swap3A_206 = arith.constant 0 : index
      %swap3A_207 = tpu.vector_load %arg11[%swap3A_206] {strides = array<i32>} : memref<64xf32, #tpu.memory_space<vmem>>, vector<16xf32>,
      %swap3A_208 = vector.shape_cast %swap3A_207 : vector<16xf32> to vector<16xf32>
      %swap3A_209 = vector.shape_cast %mul3A_205 : vector<16xf32> to vector<16xf32>
      tpu.vector_store %arg11[%swap3A_206], %swap3A_209 {strides = array<i32>} : memref<64xf32, #tpu.memory_space<vmem>>, vector<16xf32>,
      %get3A_210 = arith.constant 0 : i32
      %get3A_211 = arith.index_cast %get3A_210 : i32 to index
      %get3A_212 = arith.constant 16 : index
      %get3A_213 = tpu.vector_load %arg10[%get3A_211, %get3A_212] {strides = array<i32>} : memref<16x64xf32, #tpu.memory_space<vmem>>, vector<1x16xf32>,
      %get3A_214 = vector.shape_cast %get3A_213 : vector<1x16xf32> to vector<16xf32>
      %get3A_215 = arith.constant 1 : i32
      %get3A_216 = arith.index_cast %get3A_215 : i32 to index
      %get3A_217 = arith.constant 16 : index
      %get3A_218 = tpu.vector_load %arg10[%get3A_216, %get3A_217] {strides = array<i32>} : memref<16x64xf32, #tpu.memory_space<vmem>>, vector<1x16xf32>,
      %get3A_219 = vector.shape_cast %get3A_218 : vector<1x16xf32> to vector<16xf32>
      %add3A_220 = arith.addf %get3A_214, %get3A_219 : vector<16xf32>
      %mul3A_221 = arith.constant 2.500000e-01 : f32
      %mul3A_222 = vector.broadcast %mul3A_221 : f32 to vector<16xf32>
      %mul3A_223 = arith.mulf %add3A_220, %mul3A_222 : vector<16xf32>
      %swap3A_224 = arith.constant 16 : index
      %swap3A_225 = tpu.vector_load %arg11[%swap3A_224] {strides = array<i32>} : memref<64xf32, #tpu.memory_space<vmem>>, vector<16xf32>,
      %swap3A_226 = vector.shape_cast %swap3A_225 : vector<16xf32> to vector<16xf32>
      %swap3A_227 = vector.shape_cast %mul3A_223 : vector<16xf32> to vector<16xf32>
      tpu.vector_store %arg11[%swap3A_224], %swap3A_227 {strides = array<i32>} : memref<64xf32, #tpu.memory_space<vmem>>, vector<16xf32>,
      %get3A_228 = arith.constant 0 : i32
      %get3A_229 = arith.index_cast %get3A_228 : i32 to index
      %get3A_230 = arith.constant 32 : index
      %get3A_231 = tpu.vector_load %arg10[%get3A_229, %get3A_230] {strides = array<i32>} : memref<16x64xf32, #tpu.memory_space<vmem>>, vector<1x16xf32>,
      %get3A_232 = vector.shape_cast %get3A_231 : vector<1x16xf32> to vector<16xf32>
      %get3A_233 = arith.constant 1 : i32
      %get3A_234 = arith.index_cast %get3A_233 : i32 to index
      %get3A_235 = arith.constant 32 : index
      %get3A_236 = tpu.vector_load %arg10[%get3A_234, %get3A_235] {strides = array<i32>} : memref<16x64xf32, #tpu.memory_space<vmem>>, vector<1x16xf32>,
      %get3A_237 = vector.shape_cast %get3A_236 : vector<1x16xf32> to vector<16xf32>
      %add3A_238 = arith.addf %get3A_232, %get3A_237 : vector<16xf32>
      %mul3A_239 = arith.constant 2.500000e-01 : f32
      %mul3A_240 = vector.broadcast %mul3A_239 : f32 to vector<16xf32>
      %mul3A_241 = arith.mulf %add3A_238, %mul3A_240 : vector<16xf32>
      %swap3A_242 = arith.constant 32 : index
      %swap3A_243 = tpu.vector_load %arg11[%swap3A_242] {strides = array<i32>} : memref<64xf32, #tpu.memory_space<vmem>>, vector<16xf32>,
      %swap3A_244 = vector.shape_cast %swap3A_243 : vector<16xf32> to vector<16xf32>
      %swap3A_245 = vector.shape_cast %mul3A_241 : vector<16xf32> to vector<16xf32>
      tpu.vector_store %arg11[%swap3A_242], %swap3A_245 {strides = array<i32>} : memref<64xf32, #tpu.memory_space<vmem>>, vector<16xf32>,
      %get3A_246 = arith.constant 0 : i32
      %get3A_247 = arith.index_cast %get3A_246 : i32 to index
      %get3A_248 = arith.constant 48 : index
      %get3A_249 = tpu.vector_load %arg10[%get3A_247, %get3A_248] {strides = array<i32>} : memref<16x64xf32, #tpu.memory_space<vmem>>, vector<1x16xf32>,
      %get3A_250 = vector.shape_cast %get3A_249 : vector<1x16xf32> to vector<16xf32>
      %get3A_251 = arith.constant 1 : i32
      %get3A_252 = arith.index_cast %get3A_251 : i32 to index
      %get3A_253 = arith.constant 48 : index
      %get3A_254 = tpu.vector_load %arg10[%get3A_252, %get3A_253] {strides = array<i32>} : memref<16x64xf32, #tpu.memory_space<vmem>>, vector<1x16xf32>,
      %get3A_255 = vector.shape_cast %get3A_254 : vector<1x16xf32> to vector<16xf32>
      %add3A_256 = arith.addf %get3A_250, %get3A_255 : vector<16xf32>
      %mul3A_257 = arith.constant 2.500000e-01 : f32
      %mul3A_258 = vector.broadcast %mul3A_257 : f32 to vector<16xf32>
      %mul3A_259 = arith.mulf %add3A_256, %mul3A_258 : vector<16xf32>
      %swap3A_260 = arith.constant 48 : index
      %swap3A_261 = tpu.vector_load %arg11[%swap3A_260] {strides = array<i32>} : memref<64xf32, #tpu.memory_space<vmem>>, vector<16xf32>,
      %swap3A_262 = vector.shape_cast %swap3A_261 : vector<16xf32> to vector<16xf32>
      %swap3A_263 = vector.shape_cast %mul3A_259 : vector<16xf32> to vector<16xf32>
      tpu.vector_store %arg11[%swap3A_260], %swap3A_263 {strides = array<i32>} : memref<64xf32, #tpu.memory_space<vmem>>, vector<16xf32>,
      "tpu.region"() ({
        %run_scoped3A_264 = tpu.sem_alloc : memref<!tpu.dma_semaphore, #tpu.memory_space<semaphore_mem>>
        %dma_start3A = arith.constant 0 : i32
        %dma_start3A_265 = tpu.memref_slice %arg4[%arg0, %dma_start3A] : memref<2x64xf32, #tpu.memory_space<hbm>> -> memref<1x64xf32, #tpu.memory_space<hbm>>
        %dma_start3A_266 = tpu.memref_squeeze %dma_start3A_265 : memref<1x64xf32, #tpu.memory_space<hbm>> -> memref<64xf32, #tpu.memory_space<hbm>>
        %dma_start3A_267 = arith.constant 0 : i32
        %dma_start3A_268 = tpu.memref_slice %arg4[%arg0, %dma_start3A_267] : memref<2x64xf32, #tpu.memory_space<hbm>> -> memref<1x64xf32, #tpu.memory_space<hbm>>
        %dma_start3A_269 = tpu.memref_squeeze %dma_start3A_268 : memref<1x64xf32, #tpu.memory_space<hbm>> -> memref<64xf32, #tpu.memory_space<hbm>>
        tpu.enqueue_dma source(%arg11 : memref<64xf32, #tpu.memory_space<vmem>>) target(%dma_start3A_269 : memref<64xf32, #tpu.memory_space<hbm>>) target_semaphore(%run_scoped3A_264 : memref<!tpu.dma_semaphore, #tpu.memory_space<semaphore_mem>>)
        %dma_wait3A = arith.constant 0 : i32
        %dma_wait3A_270 = tpu.memref_slice %arg4[%arg0, %dma_wait3A] : memref<2x64xf32, #tpu.memory_space<hbm>> -> memref<1x64xf32, #tpu.memory_space<hbm>>
        %dma_wait3A_271 = tpu.memref_squeeze %dma_wait3A_270 : memref<1x64xf32, #tpu.memory_space<hbm>> -> memref<64xf32, #tpu.memory_space<hbm>>
        %dma_wait3A_272 = arith.constant 0 : i32
        %dma_wait3A_273 = tpu.memref_slice %arg4[%arg0, %dma_wait3A_272] : memref<2x64xf32, #tpu.memory_space<hbm>> -> memref<1x64xf32, #tpu.memory_space<hbm>>
        %dma_wait3A_274 = tpu.memref_squeeze %dma_wait3A_273 : memref<1x64xf32, #tpu.memory_space<hbm>> -> memref<64xf32, #tpu.memory_space<hbm>>
        tpu.wait_dma2 semaphore(%run_scoped3A_264 : memref<!tpu.dma_semaphore, #tpu.memory_space<semaphore_mem>>) src(%arg11 : memref<64xf32, #tpu.memory_space<vmem>>) dst(%dma_wait3A_274 : memref<64xf32, #tpu.memory_space<hbm>>)
        tpu.yield
      }) : () -> ()
    } else {
    }
    return
  }
}

module attributes {stable_mosaic.version = 14 : i64} {
  func.func @_proj_kernel(%arg0: i32, %arg1: memref<2x64xf32, #tpu.memory_space<vmem>>, %arg2: memref<64x2048xf32, #tpu.memory_space<vmem>>, %arg3: memref<1x2048xf32, #tpu.memory_space<vmem>>) attributes {dimension_semantics = [#tpu.dimension_semantics<arbitrary>], iteration_bounds = array<i64: 49>, scalar_prefetch = 0 : i64, scratch_operands = 0 : i64, tpu.core_type = #tpu.core_type<tc>, window_params = [{pipeline_mode = #tpu.pipeline_mode<synchronous>, transform_indices = @transform_0, window_bounds = array<i64: 2, 64>}, {transform_indices = @transform_1, window_bounds = array<i64: 64, 2048>}, {transform_indices = @transform_2, window_bounds = array<i64: 1, 2048>}]} {
    %get3A = arith.constant 0 : index
    %get3A_0 = arith.constant 0 : index
    %get3A_1 = vector.load %arg1[%get3A, %get3A_0] : memref<2x64xf32, #tpu.memory_space<vmem>>, vector<1x64xf32>
    %get3A_2 = arith.constant 1 : index
    %get3A_3 = arith.constant 0 : index
    %get3A_4 = vector.load %arg1[%get3A_2, %get3A_3] : memref<2x64xf32, #tpu.memory_space<vmem>>, vector<1x64xf32>
    %add3A = arith.addf %get3A_1, %get3A_4 : vector<1x64xf32>
    %get3A_5 = arith.constant 0 : index
    %get3A_6 = arith.constant 0 : index
    %get3A_7 = vector.load %arg2[%get3A_5, %get3A_6] : memref<64x2048xf32, #tpu.memory_space<vmem>>, vector<64x2048xf32>
    %dot_general3A = arith.constant dense<0.000000e+00> : vector<1x2048xf32>
    %dot_general3A_8 = tpu.matmul %add3A, %get3A_7, %dot_general3A {dimension_numbers = #tpu.dot_dimension_numbers<[1], [0], [0], [1], [0, 0, 1, 1], [], []>, transpose_lhs_hint = false} : vector<1x64xf32>, vector<64x2048xf32>, vector<1x2048xf32> -> vector<1x2048xf32>
    %sub3A = arith.subf %dot_general3A_8, %dot_general3A_8 : vector<1x2048xf32>
    %exp3A = math.exp %sub3A : vector<1x2048xf32>
    %div3A = arith.divf %exp3A, %exp3A : vector<1x2048xf32>
    %swap3A = arith.constant 0 : index
    %swap3A_9 = arith.constant 0 : index
    %swap3A_10 = vector.load %arg3[%swap3A, %swap3A_9] : memref<1x2048xf32, #tpu.memory_space<vmem>>, vector<1x2048xf32>
    tpu.vector_store %arg3[%swap3A, %swap3A_9], %div3A {strides = array<i32>} : memref<1x2048xf32, #tpu.memory_space<vmem>>, vector<1x2048xf32>,
    return
  }
  func.func @transform_0(%arg0: i32) -> (i32, i32) {
    %c0_i32 = arith.constant 0 : i32
    %c0_i32_0 = arith.constant 0 : i32
    %c0_i32_1 = arith.constant 0 : i32
    return %c0_i32, %c0_i32_0 : i32, i32
  }
  func.func @transform_1(%arg0: i32) -> (i32, i32) {
    %c0_i32 = arith.constant 0 : i32
    %c0_i32_0 = arith.constant 0 : i32
    return %c0_i32, %arg0 : i32, i32
  }
  func.func @transform_2(%arg0: i32) -> (i32, i32) {
    %c0_i32 = arith.constant 0 : i32
    %c0_i32_0 = arith.constant 0 : i32
    return %c0_i32, %arg0 : i32, i32
  }
}

</mosaic_0001>

<sc_bundles>
// kernel: kernel.4.cloned.1.call-start
scs
__scs_entry_jumppad:
0x0: {  	(pc) =	sbr.rel $0x88, $3  }
0x1: {  	(tag) =	ssettag $0x0;
	lr =	simm.s32 $0x1  }
0x2: {  	[smem:$0x3F9E] =	sst lr;
	_ =	strace $0xD0000000  }
0x3: {  	_ = 	snop  }
0x4: {  	_ = 	snop  }
0x5: {  	_ = 	snop  }
0x6: {  	_ = 	snop  }
0x7: {  	_ = 	snop  }
__scs_overlays_trampoline_lowered:
0x8: {  	[smem:$0x3FAD] =	sst s0  }
0x9: {  	[smem:$0x3FAE] =	sst s1  }
0xa: {  	[smem:$0x3FAF] =	sst s2  }
0xb: {  	[smem:$0x3FB0] =	sst s3  }
0xc: {  	[smem:$0x3FB1] =	sst s4  }
0xd: {  	[smem:$0x3FB2] =	sst s5  }
0xe: {  	[smem:$0x3FB3] =	sst s6  }
0xf: {  	[smem:$0x3FB4] =	sst s7  }
0x10: {  	[smem:$0x3FB5] =	sst s8  }
0x11: {  	[smem:$0x3FB6] =	sst s9;
	s0 =	simm.s32 @!p0 $0x0  }
0x12: {  	s1 =	sld [smem:$0x3F9C];
	s0 =	simm.s32 @p0 $0x1  }
0x13: {  	[smem:$0x3FB7] =	sst s0;
	s0 =	simm.s32 @!p1 $0x0  }
0x14: {  	s2 =	sld [smem:$0x3F9B];
	s0 =	simm.s32 @p1 $0x1  }
0x15: {  	[smem:$0x3FB8] =	sst s0;
	s0 =	simm.s32 @!p2 $0x0  }
0x16: {  	s3 =	sld [smem:$0x3FDB];
	s0 =	simm.s32 @p2 $0x1  }
0x17: {  	s4 =	simm.s32 $0x1BF5;
	[smem:$0x3FBA] =	sst s0  }
0x18: {  	s0 =	sld [smem:$0x3F9D];
	_ =	swait.ge [sflag:s4], $0x0  }
0x19: {  	s7 =	sld [smem:$0x3F9E]  }
0x1a: {  	s8 =	sadd.s32 $0xFFFFE003, lr  }
0x1b: {  	s9 =	sadd.s32 $0xFFFFFEF7, lr;
	s5 =	simm.s32 $0xFFFFFFFF;
	p2 =	slt.u32 s8, $0xFFFFF086  }
0x1c: {  	p1 =	slt.u32 s9, $0xF7A;
	s5 =	simm.s32 @!p2 $0x0  }
0x1d: {  	s5 =	simm.s32 @p1 $0x1;
	p0 =	seq.s32 s7, s2  }
0x1e: {  	s7 =	smul.u32 @!p0 $0xF7A, s2;
	p2 =	seq.s32 @!p0 s5, $0x0  }
0x1f: {  	s9 =	smul.u32 $0xF7A, s1;
	s8 =	simm.s32 @!p0 $0x1BF5;
	p2 =	por !p2, p0  }
0x20: {  	[sflag:s8] =	ssyncset.s32 @!p0 $0xFFFFF086;
	s6 =	sadd.s32 @!p0 s3, s7;
	s7 =	simm.s32 @!p0 $0x108  }
0x21: {  	s3 =	sadd.s32 s3, s9;
	s6 =	sadd.s32 @!p0 $0x88, s6;
	s7 =	simm.s32 @p2 $0x1082  }
0x22: {  	[simem:s7], [sflag:s8] =	dma.local @!p0 [hbm:s6], $0xF7A  }
0x23: {  	s9 =	sor.u32 $0xD0000000, s2;
	s6 =	simm.s32 $0x108;
	_ =	swait.ge @!p0 [sflag:s8], $0x0  }
0x24: {  	s3 =	sadd.s32 $0x88, s3;
	s6 =	simm.s32 @!p1 $0x1082;
	[sflag:s4] =	ssyncset.s32 $0xFFFFF086  }
0x25: {  	[simem:s6], [sflag:s4] =	dma.local [hbm:s3], $0xF7A  }
0x26: {  	[smem:$0x3F9E] =	sst s1;
	(tag) =	ssettag s2;
	_ =	strace s9  }
0x27: {  	s1 =	sld [smem:$0x3FAE]  }
0x28: {  	s2 =	sld [smem:$0x3FAF]  }
0x29: {  	s4 =	sld [smem:$0x3FB1]  }
0x2a: {  	p0 =	seq.s32 s5, $0x0;
	s5 =	sld [smem:$0x3FB2]  }
0x2b: {  	s6 =	sld [smem:$0x3FB3]  }
0x2c: {  	s7 =	sld [smem:$0x3FB4]  }
0x2d: {  	s3 =	simm.s32 $0x108;
	s8 =	sld [smem:$0x3FB5]  }
0x2e: {  	s3 =	simm.s32 @!p0 $0x1082;
	s9 =	sld [smem:$0x3FB6]  }
0x2f: {  	lr =	sadd.s32 s0, s3;
	s0 =	sld [smem:$0x3FAD]  }
0x30: {  	s3 =	sld [smem:$0x3FB0]  }
0x31: {  	[smem:$0x3FB9] =	sst s10  }
0x32: {  	s10 =	sld [smem:$0x3FB7];
	_ =	sdelay $0x3  }
0x33: {  	p0 =	seq.s32 s10, $0x1;
	s10 =	sld [smem:$0x3FB9];
	_ =	sdelay $0x3  }
0x34: {  	[smem:$0x3FB9] =	sst s10  }
0x35: {  	s10 =	sld [smem:$0x3FB8];
	_ =	sdelay $0x3  }
0x36: {  	p1 =	seq.s32 s10, $0x1;
	s10 =	sld [smem:$0x3FB9];
	_ =	sdelay $0x3  }
0x37: {  	[smem:$0x3FB9] =	sst s10  }
0x38: {  	s10 =	sld [smem:$0x3FBA]  }
0x39: {  	_ = 	snop;
	(pc) =	sbr.ind lr, $3  }
0x3a: {  	_ = 	snop  }
0x3b: {  	_ = 	snop  }
0x3c: {  	p2 =	seq.s32 s10, $0x1;
	s10 =	sld [smem:$0x3FB9]  }
0x3d: {  	_ =	shalt  }
0x3e: {  	_ =	shalt  }
0x3f: {  	_ =	shalt  }
0x40: {  	_ =	shalt  }
0x41: {  	_ =	shalt  }
0x42: {  	_ =	shalt  }
0x43: {  	_ =	shalt  }
0x44: {  	_ =	shalt  }
0x45: {  	_ =	shalt  }
0x46: {  	_ =	shalt  }
0x47: {  	_ =	shalt  }
0x48: {  	_ =	shalt  }
0x49: {  	_ =	shalt  }
0x4a: {  	_ =	shalt  }
0x4b: {  	_ =	shalt  }
0x4c: {  	_ =	shalt  }
0x4d: {  	_ =	shalt  }
0x4e: {  	_ =	shalt  }
0x4f: {  	_ =	shalt  }
0x50: {  	_ =	shalt  }
0x51: {  	_ =	shalt  }
0x52: {  	_ =	shalt  }
0x53: {  	_ =	shalt  }
0x54: {  	_ =	shalt  }
0x55: {  	_ =	shalt  }
0x56: {  	_ =	shalt  }
0x57: {  	_ =	shalt  }
0x58: {  	_ =	shalt  }
0x59: {  	_ =	shalt  }
0x5a: {  	_ =	shalt  }
0x5b: {  	_ =	shalt  }
0x5c: {  	_ =	shalt  }
0x5d: {  	_ =	shalt  }
0x5e: {  	_ =	shalt  }
0x5f: {  	_ =	shalt  }
0x60: {  	_ =	shalt  }
0x61: {  	_ =	shalt  }
0x62: {  	_ =	shalt  }
0x63: {  	_ =	shalt  }
0x64: {  	_ =	shalt  }
0x65: {  	_ =	shalt  }
0x66: {  	_ =	shalt  }
0x67: {  	_ =	shalt  }
0x68: {  	_ =	shalt  }
0x69: {  	_ =	shalt  }
0x6a: {  	_ =	shalt  }
0x6b: {  	_ =	shalt  }
0x6c: {  	_ =	shalt  }
0x6d: {  	_ =	shalt  }
0x6e: {  	_ =	shalt  }
0x6f: {  	_ =	shalt  }
0x70: {  	_ =	shalt  }
0x71: {  	_ =	shalt  }
0x72: {  	_ =	shalt  }
0x73: {  	_ =	shalt  }
0x74: {  	_ =	shalt  }
0x75: {  	_ =	shalt  }
0x76: {  	_ =	shalt  }
0x77: {  	_ =	shalt  }
0x78: {  	_ =	shalt  }
0x79: {  	_ =	shalt  }
0x7a: {  	_ =	shalt  }
0x7b: {  	_ =	shalt  }
0x7c: {  	_ =	shalt  }
0x7d: {  	_ =	shalt  }
0x7e: {  	_ =	shalt  }
0x7f: {  	_ =	shalt  }
0x80: {  	_ =	shalt  }
0x81: {  	_ =	shalt  }
0x82: {  	_ =	shalt  }
0x83: {  	_ =	shalt  }
0x84: {  	_ =	shalt  }
0x85: {  	_ =	shalt  }
0x86: {  	_ =	shalt  }
0x87: {  	_ =	shalt  }
.Lfunc_end0:
.L_simem_size_0:
called_computation_lowered:
.L_overlay_start_0:
0x88: {  	s2 =	sld [smem:$0x3FD9]  }
0x89: {  	s3 =	sld [smem:$0x3FFE];
	_ =	sdelay $0x1  }
0x8a: {  	s1 =	srdreg.scid  }
0x8b: {  	s0 =	sand.u32 $0x1, s1  }
0x8c: {  	s17 =	sshll.u32 s0, $0xA;
	s2 =	sadd.s32 s3, s2  }
0x8d: {  	s2 =	sadd.s32 s2, s17  }
0x8e: {  	[smem:$0x3FC5] =	sst s2  }
0x8f: {  	_ = 	snop  }
0x90: {  	s2 =	sld [smem:$0x3FD0];
	(tm) =	ssettm $0x1  }
0x91: {  	s18 =	sld [smem:$0x3FFB];
	_ =	sdelay $0x3  }
0x92: {  	_ =	strace s18  }
0x93: {  	s3 =	sld [smem:$0x3FFC];
	_ =	sdelay $0x3  }
0x94: {  	_ =	strace s3  }
0x95: {  	s3 =	sld [smem:$0x3FFD];
	_ =	sdelay $0x3  }
0x96: {  	_ =	strace s3  }
0x97: {  	_ =	strace $0x8FFFFFFF  }
0x98: {  	s19 =	sld [smem:$0x3FDB];
	_ =	sdelay $0x1  }
0x99: {  	s4 =	simm.s32 $_scs_section_size  }
0x9a: {  	s5 =	simm.s32 $_size__tile_overlayer_lowered;
	s6 =	simm.s32 $_tile_overlayer_lowered  }
0x9b: {  	s22 =	simm.s32 $0x1BFF;
	s21 =	sshll.u32 s6, $0x1;
	s3 =	sadd.s32 s4, s19  }
0x9c: {  	s7 =	simm.s32 $0x0;
	s20 =	sshll.u32 s5, $0x1;
	s5 =	sadd.s32 s21, s3  }
0x9d: {  	[timem:s7], [sflag:s22] =	dma.local [hbm:s5], s20  }
0x9e: {  	_ =	swait.ge [sflag:s22], s20  }
0x9f: {  	s4 =	ssub.s32 $0x0, s20;
	[sflag:s22] =	ssyncset.done $0x0  }
0xa0: {  	[sflag:s22] =	ssyncadd.s32 s4;
	_ =	sdelay $0x1  }
0xa1: {  	s23 =	simm.s32 $0x1B8B  }
0xa2: {  	_ =	swait.ge [sflag:s23], $0x1  }
0xa3: {  	[sflag:s23] =	ssyncset.done $0x0  }
0xa4: {  	s25 =	simm.s32 $0x1B8E;
	s24 =	sld [smem:$0x3FFE];
	[sflag:s23] =	ssyncadd.s32 $0xFFFFFFFF  }
0xa5: {  	s26 =	simm.s32 $execute0_lowered;
	[smem:$0x3FD2] =	sst s25  }
0xa6: {  	s5 =	sshll.u32 s26, $0x1;
	_ =	strace $0x80000046;
	[dreg:$0x1] =	wrdreg $0xFFFFFFFF  }
0xa7: {  	s28 =	simm.s32 $_size_execute0_lowered;
	s3 =	sadd.s32 s3, s5;
	[dreg:$0x0] =	wrdreg $0x0  }
0xa8: {  	s5 =	sshll.u32 s28, $0x1;
	[dreg:$0x2] =	wrdreg s3  }
0xa9: {  	[dreg:$0x3] =	wrdreg s5  }
0xaa: {  	[dreg:$0x4] =	wrdreg $0xC0  }
0xab: {  	_ =	task [dreg:s7], $0x5FFFF  }
0xac: {  	[dreg:$0x1] =	wrdreg $0xFFFFFFFF  }
0xad: {  	[dreg:$0x0] =	wrdreg $0x60  }
0xae: {  	[dreg:$0x2] =	wrdreg s24  }
0xaf: {  	[dreg:$0x3] =	wrdreg s2  }
0xb0: {  	[dreg:$0x4] =	wrdreg $0x31800  }
0xb1: {  	[dreg:$0x5] =	wrdreg $0x9  }
0xb2: {  	_ =	task.clear_ibuf [dreg:s7], $0x6FFFF;
	_ =	strace $0x90000046  }
0xb3: {  	s29 =	simm.s32 $0x9;
	_ =	strace $0x80000048  }
0xb4: {  	_ =	swait.ge [sflag:s29], $0x1  }
0xb5: {  	[sflag:s29] =	ssyncadd.s32 $0xFFFFFFFF  }
0xb6: {  	_ =	strace $0x90000048  }
0xb7: {  	_ =	sfence  }
0xb8: {  	s30 =	sld [smem:$0x0];
	_ =	sdelay $0x2  }
0xb9: {  	s31 =	sshll.u32 s1, $0xD;
	s1 =	sshrl.u32 s1, $0x2  }
0xba: {  	s3 =	sand.u32 $0x4000, s31;
	s1 =	sadd.s32 s1, s30  }
0xbb: {  	s0 =	sor.u32 s3, s0;
	s1 =	sshll.u32 s1, $0x11  }
0xbc: {  	s0 =	sor.u32 s1, s0  }
0xbd: {  	s0 =	sadd.s32 $0x8F2B, s0  }
0xbe: {  	[sflag:s0] =	ssyncadd.remote.s32 $0x1  }
0xbf: {  	_ =	sfence.sel $0xFFFF  }
0xc0: {  	[dreg:$0x0] =	wrdreg $0xFFFFFFFF;
	(pc) =	sbr.abs _section_cstart, $3  }
0xc1: {  	[dreg:$0x1] =	wrdreg $0xFFFFFFFF  }
0xc2: {  	_ =	task.clear_ibuf [dreg:s7], $0x2FFFF;
	_ =	strace $0x9FFFFFFF  }
0xc3: {  	(tm) =	ssettm $0x7FFFFFFF  }
tec
execute0_lowered:
.L_overlay_start_1:
0x0: {  	(tag) =	ssettag $0x1  }
0x1: {  	s0 =	srdreg.scid;
	s4 =	rddreg [dreg:$0x0]  }
0x2: {  	v0 =	vimm.s32 $0xEFCDAB89;
	s10 =	stileid.u32;
	v1 =	vimm.s32 $0x67452301;
	s7 =	rddreg [dreg:$0x1]  }
0x3: {  	v2 =	vimm.s32 $0xDCFE98BA;
	s12 =	simm.s32 $0x3310;
	s13 =	simm.s32 $0x3390;
	s14 =	simm.s32 $0x3B10  }
0x4: {  	v3 =	vimm.s32 $0x54761032;
	v4 =	vimm.s32 $0xBA98FEDC;
	v5 =	vimm.s32 $0x32107654;
	s15 =	simm.s32 $0x0;
	s5 =	sand.u32 $0x1, s0;
	s2 =	sand.u32 $0x7, s10  }
0x5: {  	v6 =	vimm.s32 $0xFEDCBA98;
	v7 =	vimm.s32 $0x76543210;
	v0 =	vunpack.c.l.s4.s8 v0;
	s3 =	sshrl.u32 s10, $0x3;
	s31 =	sshll.u32 s10, $0x4;
	s1 =	sshll.u32 s5, $0x1  }
0x6: {  	v1 =	vunpack.c.l.s4.s8 v1;
	v2 =	vunpack.c.l.s4.s8 v2;
	v3 =	vunpack.c.l.s4.s8 v3;
	s0 =	smul.u32 $0x30E0, s2;
	p0 =	seq.s32 s2, $0x7;
	s2 =	rddreg [dreg:$0x3]  }
0x7: {  	v4 =	vunpack.c.l.s4.s8 v4;
	v5 =	vunpack.c.l.s4.s8 v5;
	v6 =	vunpack.c.l.s4.s8 v6;
	s8 =	ssub.s32 $0x2, s5;
	s11 =	sshll.u32 s5, $0x4;
	s3 =	sor.u32 s3, s1  }
0x8: {  	v0 =	vunpack.c.0.s8.s32 v0;
	s1 =	rddreg [dreg:$0x2];
	v1 =	vunpack.c.0.s8.s32 v1;
	v2 =	vunpack.c.0.s8.s32 v2;
	s9 =	sshrl.u32 s8, $0x1;
	s7 =	sadd.s32 s7, s11  }
0x9: {  	v3 =	vunpack.c.0.s8.s32 v3;
	v4 =	vunpack.c.0.s8.s32 v4;
	v5 =	vunpack.c.0.s8.s32 v5;
	s11 =	simm.s32 $0x3190;
	s6 =	smul.u32 $0x186A0, s3;
	s3 =	simm.s32 $0x0  }
.Ltmp0:
0xa: {  	v7 =	vunpack.c.l.s4.s8 v7;
	s0 =	simm.s32 @p0 $0x155C0;
	s8 =	ssub.s32 s8, s9;
	v1 =	vcombine.low v1, v0;
	(pc) =	sbr.rel .LBB2_1-.Ltmp0, $4  }
0xb: {  	s9 =	simm.s32 $0x1;
	p0 =	sne.s32 s10, $0x0;
	v2 =	vcombine.low v3, v2;
	v3 =	vcombine.low v5, v4;
	v4 =	vunpack.c.0.s8.s32 v6;
	s6 =	sadd.s32 s0, s6  }
0xc: {  	vm0 =	vcmask $0x3F08;
	vm1 =	vmmov $0x1;
	s10 =	simm.s32 $0x3100;
	[smem:$0x7FF] =	sst s3;
	v5 =	vunpack.c.0.s8.s32 v7;
	s6 =	sshrl.u32 s6, $0x3  }
0xd: {  	s8 =	smax.u32 s8, $0x1;
	v0 =	vlaneseq.u32;
	_ =	strace $0x80000047;
	v1 =	vand.u32 $0xF, v1;
	v4 =	vand.u32 $0xF, v4;
	s6 =	sadd.s32 s6, s4  }
0xe: {  	v2 =	vand.u32 $0xF, v2;
	v3 =	vand.u32 $0xF, v3;
	s4 =	sadd.s32 $0xCA00, s4;
	v4 =	vcombine.low v4, v5;
	s5 =	sadd.s32 $0x600, s6;
	s6 =	sadd.s32 s31, s1  }
.LBB2_5:
0xf: {  	s15 =	sadd.s32 $0x1, s15  }
0x10: {  	p1 =	sne.s32 s15, s8  }
.Ltmp1:
0x11: {  	_ = 	snop;
	(pc) =	sbr.rel @!p1 .LBB2_6-.Ltmp1, $1  }
0x12: {  	_ =	sdelay $0x3  }
.LBB2_1:
0x13: {  	[tilespmem:s3], [sflag:$0x1] =	stream.linear.gather [hbm4b:s5+s3], $0x30E0, $0x38;
	[tilespmem:$0x3B90] =	vst v63  }
0x14: {  	_ =	swait.ge [sflag:s9], $0x30E0  }
0x15: {  	[sflag:s9] =	ssyncset.done $0x0  }
0x16: {  	s17 =	simm.s32 $0x0;
	[sflag:s9] =	ssyncadd.s32 $0xFFFFCF20  }
0x17: {  	v6 =	vld [tilespmem:s17+$0x0];
	_ =	sdelay $0x3  }
0x18: {  	v5 =	vimm.s32 $0xFFFFFFFF;
	s16 =	simm.s32 $0x40;
	s17 =	smov.u32 s0  }
.LBB2_2:
0x19: {  	s18 =	sshra.s32 s16, $0x2;
	p1 =	sne.s32 s16, $0xC340;
	s16 =	sadd.s32 $0x40, s16;
	v7 =	vor.u32 s17, v0;
	vm2 =	veq.s32 v6, $0x0  }
.Ltmp2:
0x1a: {  	v6 =	vld [tilespmem:s18+$0x0];
	v7 =	vsel vm2, $0xFFFFFFFF, v7;
	(pc) =	sbr.rel @p1 .LBB2_2-.Ltmp2, $3  }
0x1b: {  	vm2 =	vgt.s32 v5, v7  }
0x1c: {  	v5 =	vsel vm2, v5, v7;
	_ =	sdelay $0x1  }
0x1d: {  	s17 =	sadd.s32 $0x10, s17  }
0x1e: {  	v7 =	vor.u32 s17, v0;
	vm2 =	veq.s32 v6, $0x0  }
0x1f: {  	v6 =	vsel vm2, $0xFFFFFFFF, v7  }
0x20: {  	vm2 =	vgt.s32 v5, v6  }
0x21: {  	v5 =	vsel vm2, v5, v6  }
0x22: {  	[tilespmem:$0x3100] =	vst v5  }
0x23: {  	[spmem:s6] =	stream.linear.scatter [tilespmem:s10], [sflag:$0x1], $0x10, $0x38;
	[tilespmem:$0x3B90] =	vst v63  }
.Ltmp3:
0x24: {  	_ =	swait.ge [sflag:s9], $0x10;
	(pc) =	sbr.rel @p0 .LBB2_5-.Ltmp3, $3  }
0x25: {  	[sflag:s9] =	ssyncset.done $0x0  }
0x26: {  	[sflag:s9] =	ssyncadd.s32 $0xFFFFFFF0  }
0x27: {  	[bflag:$0x0] =	sbarrier.arrive $0xFFFF;
	_ =	sdelay $0x1  }
0x28: {  	[tilespmem:s11], [sflag:$0x1] =	stream.linear.gather [spmem:s1], $0x100, $0x38;
	[tilespmem:$0x3B90] =	vst v63  }
0x29: {  	_ =	swait.ge [sflag:s9], $0x100  }
0x2a: {  	[sflag:s9] =	ssyncset.done $0x0  }
0x2b: {  	[sflag:s9] =	ssyncadd.s32 $0xFFFFFF00  }
0x2c: {  	v5 =	vld [tilespmem:$0x3190]  }
0x2d: {  	v6 =	vld [tilespmem:$0x3210]  }
0x2e: {  	v7 =	vld [tilespmem:$0x3220]  }
0x2f: {  	v8 =	vld [tilespmem:$0x31A0]  }
0x30: {  	v9 =	vld [tilespmem:$0x3230]  }
0x31: {  	v10 =	vld [tilespmem:$0x31B0]  }
0x32: {  	v11 =	vld [tilespmem:$0x3240]  }
0x33: {  	v12 =	vld [tilespmem:$0x31C0];
	vm2 =	vgt.s32 v6, v7  }
0x34: {  	v6 =	vsel vm2, v6, v7;
	vm2 =	vgt.s32 v5, v8;
	v7 =	vld [tilespmem:$0x3250]  }
0x35: {  	v52 =	vld [tilespmem:$0x31D0];
	v5 =	vsel vm2, v5, v8;
	vm2 =	vgt.s32 v6, v9  }
0x36: {  	v53 =	vld [tilespmem:$0x3260];
	v6 =	vsel vm2, v6, v9;
	vm2 =	vgt.s32 v5, v10  }
0x37: {  	v54 =	vld [tilespmem:$0x31E0];
	v5 =	vsel vm2, v5, v10;
	vm2 =	vgt.s32 v6, v11  }
0x38: {  	v55 =	vld [tilespmem:$0x3270];
	v6 =	vsel vm2, v6, v11;
	vm2 =	vgt.s32 v5, v12  }
0x39: {  	v56 =	vld [tilespmem:$0x31F0];
	v5 =	vsel vm2, v5, v12;
	vm2 =	vgt.s32 v6, v7  }
0x3a: {  	v6 =	vsel vm2, v6, v7;
	vm2 =	vgt.s32 v5, v52;
	v7 =	vld [tilespmem:$0x3280]  }
0x3b: {  	v57 =	vld [tilespmem:$0x3200];
	v5 =	vsel vm2, v5, v52;
	vm2 =	vgt.s32 v6, v53  }
0x3c: {  	v6 =	vsel vm2, v6, v53;
	vm2 =	vgt.s32 v5, v54  }
0x3d: {  	v5 =	vsel vm2, v5, v54;
	vm2 =	vgt.s32 v6, v55  }
0x3e: {  	v6 =	vsel vm2, v6, v55;
	vm2 =	vgt.s32 v5, v56  }
0x3f: {  	v5 =	vsel vm2, v5, v56;
	vm2 =	vgt.s32 v6, v7  }
0x40: {  	v6 =	vsel vm2, v6, v7;
	vm2 =	vgt.s32 v5, v57  }
0x41: {  	v5 =	vsel vm2, v5, v57;
	v7 =	vperm.xlane v6, v1  }
0x42: {  	v8 =	vperm.xlane v5, v1  }
0x43: {  	vm2 =	vgt.s32 v6, v7  }
0x44: {  	v6 =	vsel vm2, v6, v7;
	vm2 =	vgt.s32 v5, v8  }
0x45: {  	v5 =	vsel vm2, v5, v8;
	v7 =	vperm.xlane v6, v2  }
0x46: {  	v8 =	vperm.xlane v5, v2  }
0x47: {  	vm2 =	vgt.s32 v6, v7  }
0x48: {  	v6 =	vsel vm2, v6, v7;
	vm2 =	vgt.s32 v5, v8  }
0x49: {  	v5 =	vsel vm2, v5, v8;
	v7 =	vperm.xlane v6, v3  }
0x4a: {  	v8 =	vperm.xlane v5, v3  }
0x4b: {  	vm2 =	vgt.s32 v6, v7  }
0x4c: {  	v6 =	vsel vm2, v6, v7;
	vm2 =	vgt.s32 v5, v8  }
0x4d: {  	v5 =	vsel vm2, v5, v8;
	v7 =	vperm.xlane v6, v4  }
0x4e: {  	v8 =	vperm.xlane v5, v4  }
0x4f: {  	vm2 =	vgt.s32 v6, v7  }
0x50: {  	v6 =	vsel vm2, v6, v7;
	vm2 =	vgt.s32 v5, v8  }
0x51: {  	v5 =	vsel vm2, v5, v8;
	v6 =	vsel vm0, $0x0, v6  }
0x52: {  	v5 =	vsel vm1, v5, v6  }
0x53: {  	vm2 =	vlt.s32 v5, $0x0;
	v6 =	vadd.s32 $0x186A0, v5  }
0x54: {  	v5 =	vsel vm2, v6, v5  }
0x55: {  	v6 =	vshll.u32 v5, $0x4  }
0x56: {  	(v2sf) =	vpush v6, $0x0;
	_ =	sdelay $0xe  }
0x57: {  	s16 =	spop (v2sf)  }
0x58: {  	s16 =	sand.u32 $0x1FFFFFF0, s16  }
0x59: {  	[tilespmem:$0x3290] =	vst v5;
	s16 =	sadd.s32 s4, s16  }
0x5a: {  	[tilespmem:s12], [sflag:$0x1] =	stream.linear.gather [hbm4b:s16+s3], $0x80, $0x38;
	[tilespmem:$0x3B90] =	vst v63  }
0x5b: {  	_ =	swait.ge [sflag:s9], $0x80  }
0x5c: {  	(v2sf) =	vpush v6, $0x1;
	_ =	sdelay $0xe  }
0x5d: {  	s31 =	spop (v2sf)  }
0x5e: {  	[sflag:s9] =	ssyncset.done $0x0;
	s16 =	sand.u32 $0x1FFFFFF0, s31  }
0x5f: {  	[sflag:s9] =	ssyncadd.s32 $0xFFFFFF80;
	s16 =	sadd.s32 s4, s16  }
0x60: {  	[tilespmem:s13], [sflag:$0x1] =	stream.linear.gather [hbm4b:s16+s3], $0x80, $0x38;
	[tilespmem:$0x3B90] =	vst v63  }
0x61: {  	_ =	swait.ge [sflag:s9], $0x80  }
0x62: {  	[sflag:s9] =	ssyncset.done $0x0  }
0x63: {  	[sflag:s9] =	ssyncadd.s32 $0xFFFFFF80  }
0x64: {  	v5 =	vld [tilespmem:$0x3310]  }
0x65: {  	v6 =	vld [tilespmem:$0x3390]  }
0x66: {  	v7 =	vld [tilespmem:$0x3320]  }
0x67: {  	v58 =	vld [tilespmem:$0x33A0]  }
0x68: {  	v59 =	vld [tilespmem:$0x3330]  }
0x69: {  	v60 =	vld [tilespmem:$0x33B0]  }
0x6a: {  	v61 =	vld [tilespmem:$0x3340]  }
0x6b: {  	v62 =	vld [tilespmem:$0x33C0];
	_ =	sdelay $0x1  }
0x6c: {  	v5 =	vadd.f32 v6, v5  }
0x6d: {  	v6 =	vadd.f32 v58, v7  }
0x6e: {  	v7 =	vadd.f32 v60, v59;
	v5 =	vmul.f32 $2.500000000e-01, v5  }
0x6f: {  	v63 =	vadd.f32 v62, v61;
	v6 =	vmul.f32 $2.500000000e-01, v6  }
0x70: {  	[tilespmem:$0x3B10] =	vst v5;
	v5 =	vmul.f32 $2.500000000e-01, v7  }
0x71: {  	[tilespmem:$0x3B20] =	vst v6;
	v6 =	vmul.f32 $2.500000000e-01, v63  }
0x72: {  	[tilespmem:$0x3B30] =	vst v5  }
.Ltmp4:
0x73: {  	[tilespmem:$0x3B40] =	vst v6;
	(pc) =	sbr.rel .LBB2_5-.Ltmp4, $4  }
0x74: {  	[hbm4b:s7+s3] =	stream.linear.scatter [tilespmem:s14], [sflag:$0x1], $0x80, $0x38;
	[tilespmem:$0x3B90] =	vst v63  }
0x75: {  	_ =	swait.ge [sflag:s9], $0x80  }
0x76: {  	[sflag:s9] =	ssyncset.done $0x0  }
0x77: {  	[sflag:s9] =	ssyncadd.s32 $0xFFFFFF80  }
.LBB2_6:
0x78: {  	_ =	sfence.sel $0x180000  }
0x79: {  	[bflag:$0x0] =	sbarrier.arrive $0xFFFF  }
0x7a: {  	_ =	strace $0x90000047  }
0x7b: {  	s0 =	sadd.s32 @!p0 $0x100000, s2;
	[bflag:$0x2] =	sbarrier.arrive $0xFFFF  }
0x7c: {  	[sflag:s0] =	ssyncadd.tile.s32 @!p0 $0x1;
	_ =	shalt  }
.Lfunc_end2:
_tile_overlayer_lowered:
.L_overlay_start_2:
0x7d: {  	(tag) =	ssettag $0x2  }
0x7e: {  	s0 =	rddreg [dreg:$0x0];
	s2 =	stileid.u32  }
0x7f: {  	s1 =	rddreg [dreg:$0x1];
	p0 =	sne.s32 s2, $0x0  }
0x80: {  	s3 =	rddreg [dreg:$0x2];
	[bflag:$0x3] =	sbarrier.arrive $0xFFFF;
	s2 =	simm.s32 @!p0 $0x1C01  }
0x81: {  	[timem:s3], [sflag:s2] =	dma.local @!p0 [hbm:s0], s1  }
0x82: {  	s0 =	simm.s32 @!p0 $0x1  }
0x83: {  	_ =	swait.ge @!p0 [sflag:s0], s1  }
0x84: {  	s1 =	ssub.s32 @!p0 $0x0, s1;
	[sflag:s0] =	ssyncset.done @!p0 $0x0  }
0x85: {  	[sflag:s0] =	ssyncadd.s32 @!p0 s1  }
0x86: {  	[bflag:$0x3] =	sbarrier.arrive $0xFFFF  }
0x87: {  	_ =	shalt  }

</sc_bundles>
